<compile_context>
chip_gen: v7x
topology: tpu7x:2x2x1
jax: 0.10.2.dev20260603
libtpu: 0.0.44.dev20260713+nightly
codegen_flags: <defaults>
</compile_context>

<pallas_src>
import jax
import jax.numpy as jnp
from jax.experimental import pallas as pl
from jax.experimental.pallas import tpu as pltpu

D_MODEL = 4096
MAX_LEN = 8192
BATCH = 128
_BLK = 16
_NCOPY = BATCH // _BLK


def _body(ts_ref, table_ref, out_ref, rowbuf, buf, row_sem, sems):
    r = ts_ref[0]
    gather = pltpu.make_async_copy(
        table_ref.at[pl.ds(r * D_MODEL, D_MODEL)], rowbuf, row_sem
    )
    gather.start()
    gather.wait()
    row = rowbuf[...]
    for j in range(_BLK):
        buf[pl.ds(j * D_MODEL, D_MODEL)] = row
    copies = [
        pltpu.make_async_copy(
            buf, out_ref.at[pl.ds(j * _BLK * D_MODEL, _BLK * D_MODEL)], sems.at[j]
        )
        for j in range(_NCOPY)
    ]
    for c in copies:
        c.start()
    for c in copies:
        c.wait()


@jax.jit
def _pe_broadcast(pos_encoding, ts):
    table_flat = pos_encoding.reshape(MAX_LEN * D_MODEL)
    return pl.pallas_call(
        _body,
        in_specs=[
            pl.BlockSpec(memory_space=pltpu.MemorySpace.SMEM),
            pl.BlockSpec(memory_space=pl.ANY),
        ],
        out_specs=pl.BlockSpec(memory_space=pl.ANY),
        scratch_shapes=[
            pltpu.VMEM((D_MODEL,), jnp.float32),
            pltpu.VMEM((_BLK * D_MODEL,), jnp.float32),
            pltpu.SemaphoreType.DMA,
            pltpu.SemaphoreType.DMA((_NCOPY,)),
        ],
        out_shape=jax.ShapeDtypeStruct((BATCH * D_MODEL,), jnp.float32),
    )(ts, table_flat)


def kernel(pos_encoding, timestep, batch_size):
    ts = jnp.asarray(timestep, dtype=jnp.int32).reshape(1)
    out = _pe_broadcast(pos_encoding, ts)
    return out.reshape(BATCH, 1, 1, D_MODEL)

# --- scband reference (transcript-rebuilt; emitter-appended) ---
"""Pipeline reference for scband-positional-encoding-52063593563048 (READ-ONLY COPY).

The authoritative reference and input builder live on the scoring server;
editing this copy changes nothing except your own understanding.
"""

import jax, jax.numpy as jnp
import numpy as np

D_MODEL = 4096
MAX_LEN = 8192

def _build_pos_encoding():
    pos = np.arange(MAX_LEN)[:, np.newaxis]
    i = np.arange(D_MODEL)[np.newaxis, :]
    angle_rates = 1 / np.power(10000, 2 * (i // 2) / np.float32(D_MODEL))
    angle_rads = pos * angle_rates
    angle_rads[:, 0::2] = np.sin(angle_rads[:, 0::2])
    angle_rads[:, 1::2] = np.cos(angle_rads[:, 1::2])
    return jnp.asarray(angle_rads, dtype=jnp.float32)

def setup_inputs() -> dict:
    return {
        "pos_encoding": _build_pos_encoding(),
        "timestep": 4095,
        "batch_size": 128,
    }

def reference(pos_encoding, timestep, batch_size):
    ts = jnp.asarray(timestep, dtype=jnp.int32)
    pe = jnp.take(pos_encoding, ts, axis=0)          # [d_model]
    pe = pe[None, :]                                  # expand_dims(., 0) -> [1, d_model]
    pe = pe[None, None, :, :].reshape(1, 1, 1, D_MODEL)  # two more expand_dims at axis 0 -> [1,1,1,d_model]
    bs = jnp.asarray(batch_size, dtype=jnp.int32)
    out = jnp.tile(pe, (128, 1, 1, 1))               # [batch, 1, 1, d_model]
    out = out + jnp.zeros((), dtype=out.dtype) * bs.astype(out.dtype)
    return out

if __name__ == "__main__":
    import jax
    _d = setup_inputs()
    print(jax.jit(kernel)(*tuple(_d.values())))

</pallas_src>

<mosaic_0001>
module attributes {stable_mosaic.version = 14 : i64} {
  func.func @_body(%arg0: memref<1xi32, #tpu.memory_space<smem>>, %arg1: memref<33554432xf32, #tpu.memory_space<any>>, %arg2: memref<524288xf32, #tpu.memory_space<any>>, %arg3: memref<4096xf32, #tpu.memory_space<vmem>>, %arg4: memref<65536xf32, #tpu.memory_space<vmem>>, %arg5: memref<!tpu.dma_semaphore, #tpu.memory_space<semaphore_mem>>, %arg6: memref<8x!tpu.dma_semaphore, #tpu.memory_space<semaphore_mem>>) attributes {dimension_semantics = [], scalar_prefetch = 0 : i64, scratch_operands = 4 : i64, tpu.core_type = #tpu.core_type<tc>} {
    %get3A = arith.constant 0 : index
    %get3A_0 = memref.load %arg0[%get3A] : memref<1xi32, #tpu.memory_space<smem>>
    %mul3A = arith.constant 4096 : i32
    %mul3A_1 = arith.muli %get3A_0, %mul3A : i32
    %dma_start3A = tpu.memref_slice %arg1[%mul3A_1] : memref<33554432xf32, #tpu.memory_space<any>> -> memref<4096xf32, #tpu.memory_space<any>>
    tpu.enqueue_dma source(%dma_start3A : memref<4096xf32, #tpu.memory_space<any>>) target(%arg3 : memref<4096xf32, #tpu.memory_space<vmem>>) target_semaphore(%arg5 : memref<!tpu.dma_semaphore, #tpu.memory_space<semaphore_mem>>)
    %dma_wait3A = tpu.memref_slice %arg1[%mul3A_1] : memref<33554432xf32, #tpu.memory_space<any>> -> memref<4096xf32, #tpu.memory_space<any>>
    tpu.wait_dma2 semaphore(%arg5 : memref<!tpu.dma_semaphore, #tpu.memory_space<semaphore_mem>>) src(%dma_wait3A : memref<4096xf32, #tpu.memory_space<any>>) dst(%arg3 : memref<4096xf32, #tpu.memory_space<vmem>>)
    %get3A_2 = arith.constant 0 : index
    %get3A_3 = vector.load %arg3[%get3A_2] : memref<4096xf32, #tpu.memory_space<vmem>>, vector<4096xf32>
    %swap3A = arith.constant 0 : index
    %swap3A_4 = vector.load %arg4[%swap3A] : memref<65536xf32, #tpu.memory_space<vmem>>, vector<4096xf32>
    tpu.vector_store %arg4[%swap3A], %get3A_3 {strides = array<i32>} : memref<65536xf32, #tpu.memory_space<vmem>>, vector<4096xf32>,
    %swap3A_5 = arith.constant 4096 : index
    %swap3A_6 = vector.load %arg4[%swap3A_5] : memref<65536xf32, #tpu.memory_space<vmem>>, vector<4096xf32>
    tpu.vector_store %arg4[%swap3A_5], %get3A_3 {strides = array<i32>} : memref<65536xf32, #tpu.memory_space<vmem>>, vector<4096xf32>,
    %swap3A_7 = arith.constant 8192 : index
    %swap3A_8 = vector.load %arg4[%swap3A_7] : memref<65536xf32, #tpu.memory_space<vmem>>, vector<4096xf32>
    tpu.vector_store %arg4[%swap3A_7], %get3A_3 {strides = array<i32>} : memref<65536xf32, #tpu.memory_space<vmem>>, vector<4096xf32>,
    %swap3A_9 = arith.constant 12288 : index
    %swap3A_10 = vector.load %arg4[%swap3A_9] : memref<65536xf32, #tpu.memory_space<vmem>>, vector<4096xf32>
    tpu.vector_store %arg4[%swap3A_9], %get3A_3 {strides = array<i32>} : memref<65536xf32, #tpu.memory_space<vmem>>, vector<4096xf32>,
    %swap3A_11 = arith.constant 16384 : index
    %swap3A_12 = vector.load %arg4[%swap3A_11] : memref<65536xf32, #tpu.memory_space<vmem>>, vector<4096xf32>
    tpu.vector_store %arg4[%swap3A_11], %get3A_3 {strides = array<i32>} : memref<65536xf32, #tpu.memory_space<vmem>>, vector<4096xf32>,
    %swap3A_13 = arith.constant 20480 : index
    %swap3A_14 = vector.load %arg4[%swap3A_13] : memref<65536xf32, #tpu.memory_space<vmem>>, vector<4096xf32>
    tpu.vector_store %arg4[%swap3A_13], %get3A_3 {strides = array<i32>} : memref<65536xf32, #tpu.memory_space<vmem>>, vector<4096xf32>,
    %swap3A_15 = arith.constant 24576 : index
    %swap3A_16 = vector.load %arg4[%swap3A_15] : memref<65536xf32, #tpu.memory_space<vmem>>, vector<4096xf32>
    tpu.vector_store %arg4[%swap3A_15], %get3A_3 {strides = array<i32>} : memref<65536xf32, #tpu.memory_space<vmem>>, vector<4096xf32>,
    %swap3A_17 = arith.constant 28672 : index
    %swap3A_18 = vector.load %arg4[%swap3A_17] : memref<65536xf32, #tpu.memory_space<vmem>>, vector<4096xf32>
    tpu.vector_store %arg4[%swap3A_17], %get3A_3 {strides = array<i32>} : memref<65536xf32, #tpu.memory_space<vmem>>, vector<4096xf32>,
    %swap3A_19 = arith.constant 32768 : index
    %swap3A_20 = vector.load %arg4[%swap3A_19] : memref<65536xf32, #tpu.memory_space<vmem>>, vector<4096xf32>
    tpu.vector_store %arg4[%swap3A_19], %get3A_3 {strides = array<i32>} : memref<65536xf32, #tpu.memory_space<vmem>>, vector<4096xf32>,
    %swap3A_21 = arith.constant 36864 : index
    %swap3A_22 = vector.load %arg4[%swap3A_21] : memref<65536xf32, #tpu.memory_space<vmem>>, vector<4096xf32>
    tpu.vector_store %arg4[%swap3A_21], %get3A_3 {strides = array<i32>} : memref<65536xf32, #tpu.memory_space<vmem>>, vector<4096xf32>,
    %swap3A_23 = arith.constant 40960 : index
    %swap3A_24 = vector.load %arg4[%swap3A_23] : memref<65536xf32, #tpu.memory_space<vmem>>, vector<4096xf32>
    tpu.vector_store %arg4[%swap3A_23], %get3A_3 {strides = array<i32>} : memref<65536xf32, #tpu.memory_space<vmem>>, vector<4096xf32>,
    %swap3A_25 = arith.constant 45056 : index
    %swap3A_26 = vector.load %arg4[%swap3A_25] : memref<65536xf32, #tpu.memory_space<vmem>>, vector<4096xf32>
    tpu.vector_store %arg4[%swap3A_25], %get3A_3 {strides = array<i32>} : memref<65536xf32, #tpu.memory_space<vmem>>, vector<4096xf32>,
    %swap3A_27 = arith.constant 49152 : index
    %swap3A_28 = vector.load %arg4[%swap3A_27] : memref<65536xf32, #tpu.memory_space<vmem>>, vector<4096xf32>
    tpu.vector_store %arg4[%swap3A_27], %get3A_3 {strides = array<i32>} : memref<65536xf32, #tpu.memory_space<vmem>>, vector<4096xf32>,
    %swap3A_29 = arith.constant 53248 : index
    %swap3A_30 = vector.load %arg4[%swap3A_29] : memref<65536xf32, #tpu.memory_space<vmem>>, vector<4096xf32>
    tpu.vector_store %arg4[%swap3A_29], %get3A_3 {strides = array<i32>} : memref<65536xf32, #tpu.memory_space<vmem>>, vector<4096xf32>,
    %swap3A_31 = arith.constant 57344 : index
    %swap3A_32 = vector.load %arg4[%swap3A_31] : memref<65536xf32, #tpu.memory_space<vmem>>, vector<4096xf32>
    tpu.vector_store %arg4[%swap3A_31], %get3A_3 {strides = array<i32>} : memref<65536xf32, #tpu.memory_space<vmem>>, vector<4096xf32>,
    %swap3A_33 = arith.constant 61440 : index
    %swap3A_34 = vector.load %arg4[%swap3A_33] : memref<65536xf32, #tpu.memory_space<vmem>>, vector<4096xf32>
    tpu.vector_store %arg4[%swap3A_33], %get3A_3 {strides = array<i32>} : memref<65536xf32, #tpu.memory_space<vmem>>, vector<4096xf32>,
    %dma_start3A_35 = arith.constant 0 : i32
    %dma_start3A_36 = tpu.memref_slice %arg6[%dma_start3A_35] : memref<8x!tpu.dma_semaphore, #tpu.memory_space<semaphore_mem>> -> memref<1x!tpu.dma_semaphore, #tpu.memory_space<semaphore_mem>>
    %dma_start3A_37 = tpu.memref_squeeze %dma_start3A_36 : memref<1x!tpu.dma_semaphore, #tpu.memory_space<semaphore_mem>> -> memref<!tpu.dma_semaphore, #tpu.memory_space<semaphore_mem>>
    %dma_start3A_38 = arith.constant 0 : i32
    %dma_start3A_39 = tpu.memref_slice %arg2[%dma_start3A_38] : memref<524288xf32, #tpu.memory_space<any>> -> memref<65536xf32, #tpu.memory_space<any>>
    tpu.enqueue_dma source(%arg4 : memref<65536xf32, #tpu.memory_space<vmem>>) target(%dma_start3A_39 : memref<65536xf32, #tpu.memory_space<any>>) target_semaphore(%dma_start3A_37 : memref<!tpu.dma_semaphore, #tpu.memory_space<semaphore_mem>>)
    %dma_start3A_40 = arith.constant 1 : i32
    %dma_start3A_41 = tpu.memref_slice %arg6[%dma_start3A_40] : memref<8x!tpu.dma_semaphore, #tpu.memory_space<semaphore_mem>> -> memref<1x!tpu.dma_semaphore, #tpu.memory_space<semaphore_mem>>
    %dma_start3A_42 = tpu.memref_squeeze %dma_start3A_41 : memref<1x!tpu.dma_semaphore, #tpu.memory_space<semaphore_mem>> -> memref<!tpu.dma_semaphore, #tpu.memory_space<semaphore_mem>>
    %dma_start3A_43 = arith.constant 65536 : i32
    %dma_start3A_44 = tpu.memref_slice %arg2[%dma_start3A_43] : memref<524288xf32, #tpu.memory_space<any>> -> memref<65536xf32, #tpu.memory_space<any>>
    tpu.enqueue_dma source(%arg4 : memref<65536xf32, #tpu.memory_space<vmem>>) target(%dma_start3A_44 : memref<65536xf32, #tpu.memory_space<any>>) target_semaphore(%dma_start3A_42 : memref<!tpu.dma_semaphore, #tpu.memory_space<semaphore_mem>>)
    %dma_start3A_45 = arith.constant 2 : i32
    %dma_start3A_46 = tpu.memref_slice %arg6[%dma_start3A_45] : memref<8x!tpu.dma_semaphore, #tpu.memory_space<semaphore_mem>> -> memref<1x!tpu.dma_semaphore, #tpu.memory_space<semaphore_mem>>
    %dma_start3A_47 = tpu.memref_squeeze %dma_start3A_46 : memref<1x!tpu.dma_semaphore, #tpu.memory_space<semaphore_mem>> -> memref<!tpu.dma_semaphore, #tpu.memory_space<semaphore_mem>>
    %dma_start3A_48 = arith.constant 131072 : i32
    %dma_start3A_49 = tpu.memref_slice %arg2[%dma_start3A_48] : memref<524288xf32, #tpu.memory_space<any>> -> memref<65536xf32, #tpu.memory_space<any>>
    tpu.enqueue_dma source(%arg4 : memref<65536xf32, #tpu.memory_space<vmem>>) target(%dma_start3A_49 : memref<65536xf32, #tpu.memory_space<any>>) target_semaphore(%dma_start3A_47 : memref<!tpu.dma_semaphore, #tpu.memory_space<semaphore_mem>>)
    %dma_start3A_50 = arith.constant 3 : i32
    %dma_start3A_51 = tpu.memref_slice %arg6[%dma_start3A_50] : memref<8x!tpu.dma_semaphore, #tpu.memory_space<semaphore_mem>> -> memref<1x!tpu.dma_semaphore, #tpu.memory_space<semaphore_mem>>
    %dma_start3A_52 = tpu.memref_squeeze %dma_start3A_51 : memref<1x!tpu.dma_semaphore, #tpu.memory_space<semaphore_mem>> -> memref<!tpu.dma_semaphore, #tpu.memory_space<semaphore_mem>>
    %dma_start3A_53 = arith.constant 196608 : i32
    %dma_start3A_54 = tpu.memref_slice %arg2[%dma_start3A_53] : memref<524288xf32, #tpu.memory_space<any>> -> memref<65536xf32, #tpu.memory_space<any>>
    tpu.enqueue_dma source(%arg4 : memref<65536xf32, #tpu.memory_space<vmem>>) target(%dma_start3A_54 : memref<65536xf32, #tpu.memory_space<any>>) target_semaphore(%dma_start3A_52 : memref<!tpu.dma_semaphore, #tpu.memory_space<semaphore_mem>>)
    %dma_start3A_55 = arith.constant 4 : i32
    %dma_start3A_56 = tpu.memref_slice %arg6[%dma_start3A_55] : memref<8x!tpu.dma_semaphore, #tpu.memory_space<semaphore_mem>> -> memref<1x!tpu.dma_semaphore, #tpu.memory_space<semaphore_mem>>
    %dma_start3A_57 = tpu.memref_squeeze %dma_start3A_56 : memref<1x!tpu.dma_semaphore, #tpu.memory_space<semaphore_mem>> -> memref<!tpu.dma_semaphore, #tpu.memory_space<semaphore_mem>>
    %dma_start3A_58 = arith.constant 262144 : i32
    %dma_start3A_59 = tpu.memref_slice %arg2[%dma_start3A_58] : memref<524288xf32, #tpu.memory_space<any>> -> memref<65536xf32, #tpu.memory_space<any>>
    tpu.enqueue_dma source(%arg4 : memref<65536xf32, #tpu.memory_space<vmem>>) target(%dma_start3A_59 : memref<65536xf32, #tpu.memory_space<any>>) target_semaphore(%dma_start3A_57 : memref<!tpu.dma_semaphore, #tpu.memory_space<semaphore_mem>>)
    %dma_start3A_60 = arith.constant 5 : i32
    %dma_start3A_61 = tpu.memref_slice %arg6[%dma_start3A_60] : memref<8x!tpu.dma_semaphore, #tpu.memory_space<semaphore_mem>> -> memref<1x!tpu.dma_semaphore, #tpu.memory_space<semaphore_mem>>
    %dma_start3A_62 = tpu.memref_squeeze %dma_start3A_61 : memref<1x!tpu.dma_semaphore, #tpu.memory_space<semaphore_mem>> -> memref<!tpu.dma_semaphore, #tpu.memory_space<semaphore_mem>>
    %dma_start3A_63 = arith.constant 327680 : i32
    %dma_start3A_64 = tpu.memref_slice %arg2[%dma_start3A_63] : memref<524288xf32, #tpu.memory_space<any>> -> memref<65536xf32, #tpu.memory_space<any>>
    tpu.enqueue_dma source(%arg4 : memref<65536xf32, #tpu.memory_space<vmem>>) target(%dma_start3A_64 : memref<65536xf32, #tpu.memory_space<any>>) target_semaphore(%dma_start3A_62 : memref<!tpu.dma_semaphore, #tpu.memory_space<semaphore_mem>>)
    %dma_start3A_65 = arith.constant 6 : i32
    %dma_start3A_66 = tpu.memref_slice %arg6[%dma_start3A_65] : memref<8x!tpu.dma_semaphore, #tpu.memory_space<semaphore_mem>> -> memref<1x!tpu.dma_semaphore, #tpu.memory_space<semaphore_mem>>
    %dma_start3A_67 = tpu.memref_squeeze %dma_start3A_66 : memref<1x!tpu.dma_semaphore, #tpu.memory_space<semaphore_mem>> -> memref<!tpu.dma_semaphore, #tpu.memory_space<semaphore_mem>>
    %dma_start3A_68 = arith.constant 393216 : i32
    %dma_start3A_69 = tpu.memref_slice %arg2[%dma_start3A_68] : memref<524288xf32, #tpu.memory_space<any>> -> memref<65536xf32, #tpu.memory_space<any>>
    tpu.enqueue_dma source(%arg4 : memref<65536xf32, #tpu.memory_space<vmem>>) target(%dma_start3A_69 : memref<65536xf32, #tpu.memory_space<any>>) target_semaphore(%dma_start3A_67 : memref<!tpu.dma_semaphore, #tpu.memory_space<semaphore_mem>>)
    %dma_start3A_70 = arith.constant 7 : i32
    %dma_start3A_71 = tpu.memref_slice %arg6[%dma_start3A_70] : memref<8x!tpu.dma_semaphore, #tpu.memory_space<semaphore_mem>> -> memref<1x!tpu.dma_semaphore, #tpu.memory_space<semaphore_mem>>
    %dma_start3A_72 = tpu.memref_squeeze %dma_start3A_71 : memref<1x!tpu.dma_semaphore, #tpu.memory_space<semaphore_mem>> -> memref<!tpu.dma_semaphore, #tpu.memory_space<semaphore_mem>>
    %dma_start3A_73 = arith.constant 458752 : i32
    %dma_start3A_74 = tpu.memref_slice %arg2[%dma_start3A_73] : memref<524288xf32, #tpu.memory_space<any>> -> memref<65536xf32, #tpu.memory_space<any>>
    tpu.enqueue_dma source(%arg4 : memref<65536xf32, #tpu.memory_space<vmem>>) target(%dma_start3A_74 : memref<65536xf32, #tpu.memory_space<any>>) target_semaphore(%dma_start3A_72 : memref<!tpu.dma_semaphore, #tpu.memory_space<semaphore_mem>>)
    %dma_wait3A_75 = arith.constant 0 : i32
    %dma_wait3A_76 = tpu.memref_slice %arg6[%dma_wait3A_75] : memref<8x!tpu.dma_semaphore, #tpu.memory_space<semaphore_mem>> -> memref<1x!tpu.dma_semaphore, #tpu.memory_space<semaphore_mem>>
    %dma_wait3A_77 = tpu.memref_squeeze %dma_wait3A_76 : memref<1x!tpu.dma_semaphore, #tpu.memory_space<semaphore_mem>> -> memref<!tpu.dma_semaphore, #tpu.memory_space<semaphore_mem>>
    %dma_wait3A_78 = arith.constant 0 : i32
    %dma_wait3A_79 = tpu.memref_slice %arg2[%dma_wait3A_78] : memref<524288xf32, #tpu.memory_space<any>> -> memref<65536xf32, #tpu.memory_space<any>>
    tpu.wait_dma2 semaphore(%dma_wait3A_77 : memref<!tpu.dma_semaphore, #tpu.memory_space<semaphore_mem>>) src(%arg4 : memref<65536xf32, #tpu.memory_space<vmem>>) dst(%dma_wait3A_79 : memref<65536xf32, #tpu.memory_space<any>>)
    %dma_wait3A_80 = arith.constant 1 : i32
    %dma_wait3A_81 = tpu.memref_slice %arg6[%dma_wait3A_80] : memref<8x!tpu.dma_semaphore, #tpu.memory_space<semaphore_mem>> -> memref<1x!tpu.dma_semaphore, #tpu.memory_space<semaphore_mem>>
    %dma_wait3A_82 = tpu.memref_squeeze %dma_wait3A_81 : memref<1x!tpu.dma_semaphore, #tpu.memory_space<semaphore_mem>> -> memref<!tpu.dma_semaphore, #tpu.memory_space<semaphore_mem>>
    %dma_wait3A_83 = arith.constant 65536 : i32
    %dma_wait3A_84 = tpu.memref_slice %arg2[%dma_wait3A_83] : memref<524288xf32, #tpu.memory_space<any>> -> memref<65536xf32, #tpu.memory_space<any>>
    tpu.wait_dma2 semaphore(%dma_wait3A_82 : memref<!tpu.dma_semaphore, #tpu.memory_space<semaphore_mem>>) src(%arg4 : memref<65536xf32, #tpu.memory_space<vmem>>) dst(%dma_wait3A_84 : memref<65536xf32, #tpu.memory_space<any>>)
    %dma_wait3A_85 = arith.constant 2 : i32
    %dma_wait3A_86 = tpu.memref_slice %arg6[%dma_wait3A_85] : memref<8x!tpu.dma_semaphore, #tpu.memory_space<semaphore_mem>> -> memref<1x!tpu.dma_semaphore, #tpu.memory_space<semaphore_mem>>
    %dma_wait3A_87 = tpu.memref_squeeze %dma_wait3A_86 : memref<1x!tpu.dma_semaphore, #tpu.memory_space<semaphore_mem>> -> memref<!tpu.dma_semaphore, #tpu.memory_space<semaphore_mem>>
    %dma_wait3A_88 = arith.constant 131072 : i32
    %dma_wait3A_89 = tpu.memref_slice %arg2[%dma_wait3A_88] : memref<524288xf32, #tpu.memory_space<any>> -> memref<65536xf32, #tpu.memory_space<any>>
    tpu.wait_dma2 semaphore(%dma_wait3A_87 : memref<!tpu.dma_semaphore, #tpu.memory_space<semaphore_mem>>) src(%arg4 : memref<65536xf32, #tpu.memory_space<vmem>>) dst(%dma_wait3A_89 : memref<65536xf32, #tpu.memory_space<any>>)
    %dma_wait3A_90 = arith.constant 3 : i32
    %dma_wait3A_91 = tpu.memref_slice %arg6[%dma_wait3A_90] : memref<8x!tpu.dma_semaphore, #tpu.memory_space<semaphore_mem>> -> memref<1x!tpu.dma_semaphore, #tpu.memory_space<semaphore_mem>>
    %dma_wait3A_92 = tpu.memref_squeeze %dma_wait3A_91 : memref<1x!tpu.dma_semaphore, #tpu.memory_space<semaphore_mem>> -> memref<!tpu.dma_semaphore, #tpu.memory_space<semaphore_mem>>
    %dma_wait3A_93 = arith.constant 196608 : i32
    %dma_wait3A_94 = tpu.memref_slice %arg2[%dma_wait3A_93] : memref<524288xf32, #tpu.memory_space<any>> -> memref<65536xf32, #tpu.memory_space<any>>
    tpu.wait_dma2 semaphore(%dma_wait3A_92 : memref<!tpu.dma_semaphore, #tpu.memory_space<semaphore_mem>>) src(%arg4 : memref<65536xf32, #tpu.memory_space<vmem>>) dst(%dma_wait3A_94 : memref<65536xf32, #tpu.memory_space<any>>)
    %dma_wait3A_95 = arith.constant 4 : i32
    %dma_wait3A_96 = tpu.memref_slice %arg6[%dma_wait3A_95] : memref<8x!tpu.dma_semaphore, #tpu.memory_space<semaphore_mem>> -> memref<1x!tpu.dma_semaphore, #tpu.memory_space<semaphore_mem>>
    %dma_wait3A_97 = tpu.memref_squeeze %dma_wait3A_96 : memref<1x!tpu.dma_semaphore, #tpu.memory_space<semaphore_mem>> -> memref<!tpu.dma_semaphore, #tpu.memory_space<semaphore_mem>>
    %dma_wait3A_98 = arith.constant 262144 : i32
    %dma_wait3A_99 = tpu.memref_slice %arg2[%dma_wait3A_98] : memref<524288xf32, #tpu.memory_space<any>> -> memref<65536xf32, #tpu.memory_space<any>>
    tpu.wait_dma2 semaphore(%dma_wait3A_97 : memref<!tpu.dma_semaphore, #tpu.memory_space<semaphore_mem>>) src(%arg4 : memref<65536xf32, #tpu.memory_space<vmem>>) dst(%dma_wait3A_99 : memref<65536xf32, #tpu.memory_space<any>>)
    %dma_wait3A_100 = arith.constant 5 : i32
    %dma_wait3A_101 = tpu.memref_slice %arg6[%dma_wait3A_100] : memref<8x!tpu.dma_semaphore, #tpu.memory_space<semaphore_mem>> -> memref<1x!tpu.dma_semaphore, #tpu.memory_space<semaphore_mem>>
    %dma_wait3A_102 = tpu.memref_squeeze %dma_wait3A_101 : memref<1x!tpu.dma_semaphore, #tpu.memory_space<semaphore_mem>> -> memref<!tpu.dma_semaphore, #tpu.memory_space<semaphore_mem>>
    %dma_wait3A_103 = arith.constant 327680 : i32
    %dma_wait3A_104 = tpu.memref_slice %arg2[%dma_wait3A_103] : memref<524288xf32, #tpu.memory_space<any>> -> memref<65536xf32, #tpu.memory_space<any>>
    tpu.wait_dma2 semaphore(%dma_wait3A_102 : memref<!tpu.dma_semaphore, #tpu.memory_space<semaphore_mem>>) src(%arg4 : memref<65536xf32, #tpu.memory_space<vmem>>) dst(%dma_wait3A_104 : memref<65536xf32, #tpu.memory_space<any>>)
    %dma_wait3A_105 = arith.constant 6 : i32
    %dma_wait3A_106 = tpu.memref_slice %arg6[%dma_wait3A_105] : memref<8x!tpu.dma_semaphore, #tpu.memory_space<semaphore_mem>> -> memref<1x!tpu.dma_semaphore, #tpu.memory_space<semaphore_mem>>
    %dma_wait3A_107 = tpu.memref_squeeze %dma_wait3A_106 : memref<1x!tpu.dma_semaphore, #tpu.memory_space<semaphore_mem>> -> memref<!tpu.dma_semaphore, #tpu.memory_space<semaphore_mem>>
    %dma_wait3A_108 = arith.constant 393216 : i32
    %dma_wait3A_109 = tpu.memref_slice %arg2[%dma_wait3A_108] : memref<524288xf32, #tpu.memory_space<any>> -> memref<65536xf32, #tpu.memory_space<any>>
    tpu.wait_dma2 semaphore(%dma_wait3A_107 : memref<!tpu.dma_semaphore, #tpu.memory_space<semaphore_mem>>) src(%arg4 : memref<65536xf32, #tpu.memory_space<vmem>>) dst(%dma_wait3A_109 : memref<65536xf32, #tpu.memory_space<any>>)
    %dma_wait3A_110 = arith.constant 7 : i32
    %dma_wait3A_111 = tpu.memref_slice %arg6[%dma_wait3A_110] : memref<8x!tpu.dma_semaphore, #tpu.memory_space<semaphore_mem>> -> memref<1x!tpu.dma_semaphore, #tpu.memory_space<semaphore_mem>>
    %dma_wait3A_112 = tpu.memref_squeeze %dma_wait3A_111 : memref<1x!tpu.dma_semaphore, #tpu.memory_space<semaphore_mem>> -> memref<!tpu.dma_semaphore, #tpu.memory_space<semaphore_mem>>
    %dma_wait3A_113 = arith.constant 458752 : i32
    %dma_wait3A_114 = tpu.memref_slice %arg2[%dma_wait3A_113] : memref<524288xf32, #tpu.memory_space<any>> -> memref<65536xf32, #tpu.memory_space<any>>
    tpu.wait_dma2 semaphore(%dma_wait3A_112 : memref<!tpu.dma_semaphore, #tpu.memory_space<semaphore_mem>>) src(%arg4 : memref<65536xf32, #tpu.memory_space<vmem>>) dst(%dma_wait3A_114 : memref<65536xf32, #tpu.memory_space<any>>)
    return
  }
}

</mosaic_0001>

<sc_bundles>
// kernel: sparse-core-data-format-call.cloned.1.call-start
scs
called_computation_lowered:
.L_overlay_start_0:
0x0: {  	s2 =	sld [smem:$0x3FD9]  }
0x1: {  	s3 =	sld [smem:$0x3FFE];
	_ =	sdelay $0x1  }
0x2: {  	s1 =	srdreg.scid  }
0x3: {  	s0 =	sand.u32 $0x1, s1  }
0x4: {  	s18 =	sshll.u32 s0, $0xA;
	s2 =	sadd.s32 s3, s2  }
0x5: {  	s2 =	sadd.s32 s2, s18  }
0x6: {  	[smem:$0x3FC6] =	sst s2  }
0x7: {  	_ = 	snop  }
0x8: {  	s2 =	sld [smem:$0x3FC9];
	(tm) =	ssettm $0x1  }
0x9: {  	s19 =	sld [smem:$0x3FFB];
	_ =	sdelay $0x3  }
0xa: {  	_ =	strace s19  }
0xb: {  	s3 =	sld [smem:$0x3FFC];
	_ =	sdelay $0x3  }
0xc: {  	_ =	strace s3  }
0xd: {  	s3 =	sld [smem:$0x3FFD];
	_ =	sdelay $0x3  }
0xe: {  	_ =	strace s3  }
0xf: {  	_ =	strace $0x8FFFFFFF  }
0x10: {  	s20 =	sld [smem:$0x3FDB];
	_ =	sdelay $0x1  }
0x11: {  	s4 =	simm.s32 $_scs_section_size  }
0x12: {  	s5 =	simm.s32 $_size__tile_overlayer_lowered;
	s6 =	simm.s32 $_tile_overlayer_lowered  }
0x13: {  	s23 =	simm.s32 $0x1BFF;
	s22 =	sshll.u32 s6, $0x1;
	s3 =	sadd.s32 s4, s20  }
0x14: {  	s7 =	simm.s32 $0x0;
	s21 =	sshll.u32 s5, $0x1;
	s5 =	sadd.s32 s22, s3  }
0x15: {  	[timem:s7], [sflag:s23] =	dma.local [hbm:s5], s21  }
0x16: {  	_ =	swait.ge [sflag:s23], s21  }
0x17: {  	s4 =	ssub.s32 $0x0, s21;
	[sflag:s23] =	ssyncset.done $0x0  }
0x18: {  	[sflag:s23] =	ssyncadd.s32 s4;
	_ =	sdelay $0x1  }
0x19: {  	s24 =	simm.s32 $0x1B8B  }
0x1a: {  	_ =	swait.ge [sflag:s24], $0x1  }
0x1b: {  	[sflag:s24] =	ssyncset.done $0x0  }
0x1c: {  	s26 =	simm.s32 $0x1B8E;
	s25 =	sld [smem:$0x3FFE];
	[sflag:s24] =	ssyncadd.s32 $0xFFFFFFFF  }
0x1d: {  	s27 =	simm.s32 $execute0_lowered;
	[smem:$0x3FD2] =	sst s26  }
0x1e: {  	s5 =	sshll.u32 s27, $0x1;
	_ =	strace $0x80000046;
	[dreg:$0x1] =	wrdreg $0xFFFFFFFF  }
0x1f: {  	s28 =	simm.s32 $_size_execute0_lowered;
	s3 =	sadd.s32 s3, s5;
	[dreg:$0x0] =	wrdreg $0x0  }
0x20: {  	s5 =	sshll.u32 s28, $0x1;
	[dreg:$0x2] =	wrdreg s3  }
0x21: {  	[dreg:$0x3] =	wrdreg s5  }
0x22: {  	[dreg:$0x4] =	wrdreg $0xC0  }
0x23: {  	_ =	task [dreg:s7], $0x5FFFF  }
0x24: {  	[dreg:$0x1] =	wrdreg $0xFFFFFFFF  }
0x25: {  	[dreg:$0x0] =	wrdreg $0x60  }
0x26: {  	[dreg:$0x2] =	wrdreg s2  }
0x27: {  	[dreg:$0x3] =	wrdreg s25  }
0x28: {  	[dreg:$0x4] =	wrdreg $0x9  }
0x29: {  	_ =	task.clear_ibuf [dreg:s7], $0x5FFFF;
	_ =	strace $0x90000046  }
0x2a: {  	s29 =	simm.s32 $0x9;
	_ =	strace $0x80000048  }
0x2b: {  	_ =	swait.ge [sflag:s29], $0x1  }
0x2c: {  	[sflag:s29] =	ssyncadd.s32 $0xFFFFFFFF  }
0x2d: {  	_ =	strace $0x90000048  }
0x2e: {  	_ =	sfence  }
0x2f: {  	s30 =	sld [smem:$0x0];
	_ =	sdelay $0x2  }
0x30: {  	s31 =	sshll.u32 s1, $0xD;
	s1 =	sshrl.u32 s1, $0x2  }
0x31: {  	s3 =	sand.u32 $0x4000, s31;
	s1 =	sadd.s32 s1, s30  }
0x32: {  	s0 =	sor.u32 s3, s0;
	s1 =	sshll.u32 s1, $0x11  }
0x33: {  	s0 =	sor.u32 s1, s0  }
0x34: {  	s0 =	sadd.s32 $0x8F2B, s0  }
0x35: {  	[sflag:s0] =	ssyncadd.remote.s32 $0x1  }
0x36: {  	_ =	sfence.sel $0xFFFF  }
0x37: {  	[dreg:$0x0] =	wrdreg $0xFFFFFFFF;
	(pc) =	sbr.abs _section_cstart, $3  }
0x38: {  	[dreg:$0x1] =	wrdreg $0xFFFFFFFF  }
0x39: {  	_ =	task.clear_ibuf [dreg:s7], $0x2FFFF;
	_ =	strace $0x9FFFFFFF  }
0x3a: {  	(tm) =	ssettm $0x7FFFFFFF  }
0x3b: {  	_ =	shalt  }
tec
execute0_lowered:
.L_overlay_start_1:
0x0: {  	(tag) =	ssettag $0x1  }
0x1: {  	s2 =	rddreg [dreg:$0x0]  }
0x2: {  	s1 =	rddreg [dreg:$0x1]  }
0x3: {  	s0 =	rddreg [dreg:$0x2];
	_ =	strace $0x80000047;
	s4 =	srdreg.scid  }
0x4: {  	s6 =	simm.s32 $0x2;
	s11 =	simm.s32 $0x0;
	p0 =	por $0x0, $0x0  }
.Ltmp0:
0x5: {  	s7 =	simm.s32 $0x1000;
	s12 =	simm.s32 $0x0;
	(pc) =	sbr.rel .LBB1_1-.Ltmp0, $4  }
0x6: {  	s9 =	simm.s32 $0x0;
	s3 =	sadd.s32 $0x400, s1;
	s5 =	sshll.u32 s4, $0x4  }
0x7: {  	s1 =	stileid.u32;
	s4 =	simm.s32 $0x1;
	s5 =	sand.u32 $0x10, s5  }
0x8: {  	s8 =	simm.s32 $0x0;
	[sflag:s4] =	ssyncpa.u1 $0x0;
	s5 =	sor.u32 s1, s5  }
0x9: {  	[sflag:s6] =	ssyncpa.u1 $0x0;
	s6 =	simm.s32 $0x800;
	s10 =	smov.u32 s5  }
.LBB1_7:
0xa: {  	s13 =	sadd.s32 $0x10, s9  }
0xb: {  	s11 =	sadd.s32 $0x20, s10;
	s15 =	smov.u32 s10;
	p2 =	sgt.s32 s13, $0x1F  }
0xc: {  	p1 =	slt.u32 s8, $0x2;
	s15 =	smov.u32 @p2 s11  }
0xd: {  	s8 =	sadd.s32 $0x1, s8;
	s13 =	simm.s32 @p2 $0x0;
	p2 =	sgt.s32 s15, $0x3FF  }
0xe: {  	s15 =	smov.u32 @p2 s5;
	p2 =	sne.s32 s8, $0x42  }
.Ltmp1:
0xf: {  	_ = 	snop;
	(pc) =	sbr.rel @!p2 .LBB1_8-.Ltmp1, $4  }
0x10: {  	s14 =	simm.s32 @!p1 $0x2  }
0x11: {  	s12 =	smov.u32 s10;
	_ =	swait.ge @!p1 [sflag:s14], $0x4000  }
0x12: {  	p0 =	por !p0, !p0;
	s11 =	smov.u32 s9;
	[sflag:s14] =	ssyncset.done @!p1 $0x0  }
0x13: {  	s9 =	smov.u32 s13;
	[sflag:s14] =	ssyncadd.s32 @!p1 $0xFFFFC000;
	s10 =	smov.u32 s15  }
.LBB1_1:
0x14: {  	p1 =	sgt.u32 s8, $0x3F  }
0x15: {  	s13 =	sxor.u32 @!p1 $0xFFFFFFFF, s8;
	s14 =	sshll.u32 @!p1 s10, $0xC  }
0x16: {  	s15 =	sshll.u32 @!p1 s9, $0x7;
	s13 =	sshll.u32 @!p1 s13, $0xE;
	s14 =	sadd.s32 @!p1 s2, s14  }
0x17: {  	s13 =	sand.u32 @!p1 $0x4000, s13;
	s14 =	sadd.s32 @!p1 s15, s14;
	s15 =	simm.s32 @!p1 $0x0  }
0x18: {  	[tilespmem:s13], [sflag:$0x1] =	stream.linear.gather @!p1 [hbm4b:s14+s15], $0x4000, $0x38;
	[tilespmem:$0x10000] =	vst v63  }
0x19: {  	p1 =	seq.s32 s8, $0x0  }
0x1a: {  	p2 =	seq.s32 @!p1 s8, $0x41  }
0x1b: {  	p1 =	por p1, p2  }
.Ltmp2:
0x1c: {  	_ = 	snop;
	(pc) =	sbr.rel @p1 .LBB1_7-.Ltmp2, $1  }
0x1d: {  	_ =	sdelay $0x3  }
0x1e: {  	s13 =	simm.s32 $0x1;
	_ =	swait.ge [sflag:s4], $0x4000;
	s16 =	sshll.u32 s8, $0xE  }
0x1f: {  	s13 =	simm.s32 @!p0 $0x0;
	[sflag:s4] =	ssyncset.done $0x0;
	s31 =	sand.u32 $0x4000, s16  }
0x20: {  	s16 =	simm.s32 $0x0;
	s14 =	sshll.u32 s13, $0xE;
	[sflag:s4] =	ssyncadd.s32 $0xFFFFC000  }
0x21: {  	s13 =	sor.u32 $0x8040, s14;
	s15 =	sor.u32 $0x40, s14;
	s14 =	sor.u32 $0x8000, s31  }
.LBB1_3:
0x22: {  	v0 =	vmov s15;
	_ =	sdelay $0x3  }
0x23: {  	s18 =	simm.s32 $0x0  }
0x24: {  	v6 =	vld.idx.msk [tilespmem:v0+s18+$0x30 ss:$0x1], $0xffff  }
0x25: {  	v7 =	vld.idx.msk [tilespmem:v0+s18+$0xFFFFFFC0 ss:$0x1], $0xffff  }
0x26: {  	v5 =	vld.idx.msk [tilespmem:v0+s18+$0xFFFFFFD0 ss:$0x1], $0xffff  }
0x27: {  	v4 =	vld.idx.msk [tilespmem:v0+s18+$0xFFFFFFE0 ss:$0x1], $0xffff  }
0x28: {  	v3 =	vld.idx.msk [tilespmem:v0+s18+$0xFFFFFFF0 ss:$0x1], $0xffff  }
0x29: {  	v1 =	vld.idx.msk [tilespmem:v0+s18+$0x0 ss:$0x1], $0xffff  }
0x2a: {  	v2 =	vld.idx.msk [tilespmem:v0+s18+$0x10 ss:$0x1], $0xffff;
	[tilespmem:s13+$0x30] =	vst v6  }
0x2b: {  	s17 =	simm.s32 $0x80;
	s19 =	simm.s32 $0x400;
	[tilespmem:s13+$0xFFFFFFC0] =	vst v7;
	v6 =	vld.idx.msk [tilespmem:v0+s18+$0x20 ss:$0x1], $0xffff;
	s18 =	smov.u32 s13  }
.LBB1_4:
0x2c: {  	p1 =	sne.s32 s19, $0xE00;
	v7 =	vld.idx.msk [tilespmem:v0+s17+$0x30 ss:$0x1], $0xffff;
	[tilespmem:s18+$0xFFFFFFD0] =	vst v5  }
0x2d: {  	v8 =	vld.idx.msk [tilespmem:v0+s17+$0xFFFFFFC0 ss:$0x1], $0xffff;
	[tilespmem:s18+$0xFFFFFFE0] =	vst v4  }
0x2e: {  	v5 =	vld.idx.msk [tilespmem:v0+s17+$0xFFFFFFD0 ss:$0x1], $0xffff;
	[tilespmem:s18+$0xFFFFFFF0] =	vst v3  }
.Ltmp3:
0x2f: {  	v4 =	vld.idx.msk [tilespmem:v0+s17+$0xFFFFFFE0 ss:$0x1], $0xffff;
	[tilespmem:s18+$0x0] =	vst v1;
	(pc) =	sbr.rel @p1 .LBB1_4-.Ltmp3, $4  }
0x30: {  	v3 =	vld.idx.msk [tilespmem:v0+s17+$0xFFFFFFF0 ss:$0x1], $0xffff;
	[tilespmem:s18+$0x10] =	vst v2  }
0x31: {  	v1 =	vld.idx.msk [tilespmem:v0+s17+$0x0 ss:$0x1], $0xffff;
	[tilespmem:s18+$0x20] =	vst v6;
	s18 =	sadd.s32 $0x800, s18  }
0x32: {  	v2 =	vld.idx.msk [tilespmem:v0+s17+$0x10 ss:$0x1], $0xffff;
	[tilespmem:s18+$0x30] =	vst v7  }
0x33: {  	[tilespmem:s18+$0xFFFFFFC0] =	vst v8;
	v6 =	vld.idx.msk [tilespmem:v0+s17+$0x20 ss:$0x1], $0xffff;
	s17 =	sshra.s32 s19, $0x2;
	s19 =	sadd.s32 $0x200, s19  }
0x34: {  	_ =	sdelay $0x2  }
0x35: {  	[tilespmem:s18+$0xFFFFFFD0] =	vst v5  }
0x36: {  	v56 =	vld.idx.msk [tilespmem:v0+s17+$0x30 ss:$0x1], $0xffff;
	[tilespmem:s18+$0xFFFFFFE0] =	vst v4  }
0x37: {  	v57 =	vld.idx.msk [tilespmem:v0+s17+$0xFFFFFFC0 ss:$0x1], $0xffff;
	[tilespmem:s18+$0xFFFFFFF0] =	vst v3  }
0x38: {  	v58 =	vld.idx.msk [tilespmem:v0+s17+$0xFFFFFFD0 ss:$0x1], $0xffff;
	[tilespmem:s18+$0x0] =	vst v1  }
0x39: {  	v59 =	vld.idx.msk [tilespmem:v0+s17+$0xFFFFFFE0 ss:$0x1], $0xffff;
	[tilespmem:s18+$0x10] =	vst v2  }
0x3a: {  	v60 =	vld.idx.msk [tilespmem:v0+s17+$0xFFFFFFF0 ss:$0x1], $0xffff;
	s31 =	sadd.s32 $0x800, s18;
	[tilespmem:s18+$0x20] =	vst v6  }
0x3b: {  	v61 =	vld.idx.msk [tilespmem:v0+s17+$0x0 ss:$0x1], $0xffff;
	[tilespmem:s31+$0x30] =	vst v56  }
0x3c: {  	v62 =	vld.idx.msk [tilespmem:v0+s17+$0x10 ss:$0x1], $0xffff;
	s16 =	sadd.s32 $0x1, s16;
	[tilespmem:s31+$0xFFFFFFC0] =	vst v57  }
0x3d: {  	v63 =	vld.idx.msk [tilespmem:v0+s17+$0x20 ss:$0x1], $0xffff;
	p1 =	sne.s32 s16, $0x10;
	[tilespmem:s31+$0xFFFFFFD0] =	vst v58  }
.Ltmp4:
0x3e: {  	[tilespmem:s31+$0xFFFFFFE0] =	vst v59;
	(pc) =	sbr.rel @p1 .LBB1_3-.Ltmp4, $4  }
0x3f: {  	[tilespmem:s31+$0xFFFFFFF0] =	vst v60  }
0x40: {  	[tilespmem:s31+$0x0] =	vst v61  }
0x41: {  	[tilespmem:s31+$0x10] =	vst v62  }
0x42: {  	s13 =	sadd.s32 $0x80, s13;
	s15 =	sadd.s32 $0x400, s15;
	[tilespmem:s31+$0x20] =	vst v63  }
.Ltmp5:
0x43: {  	(pc) =	sbr.rel .LBB1_7-.Ltmp5, $4  }
0x44: {  	s12 =	sshll.u32 s12, $0xC;
	s11 =	sshll.u32 s11, $0x4  }
0x45: {  	s11 =	sand.u32 $0x1F0, s11;
	s12 =	sadd.s32 s3, s12  }
0x46: {  	s11 =	sadd.s32 s11, s12  }
0x47: {  	[hbm4b:s11+s6] =	stream.strided.scatter [tilespmem:s14], [sflag:$0x2], $0x4000, s7, s6, $0x38;
	[tilespmem:$0x10000] =	vst v63  }
.LBB1_8:
0x48: {  	_ =	sfence.sel $0x180000  }
0x49: {  	s2 =	simm.s32 $0x1;
	[bflag:$0x0] =	sbarrier.arrive $0xFFFF  }
0x4a: {  	s31 =	simm.s32 $0x2;
	[sflag:s2] =	ssyncpa.u1 $0x1  }
0x4b: {  	[sflag:s31] =	ssyncpa.u1 $0x1  }
0x4c: {  	p0 =	sne.s32 s1, $0x0;
	_ =	strace $0x90000047  }
0x4d: {  	s0 =	sadd.s32 @!p0 $0x100000, s0;
	[bflag:$0x2] =	sbarrier.arrive $0xFFFF  }
0x4e: {  	[sflag:s0] =	ssyncadd.tile.s32 @!p0 $0x1;
	_ =	shalt  }
.Lfunc_end1:
_tile_overlayer_lowered:
.L_overlay_start_2:
0x4f: {  	(tag) =	ssettag $0x2  }
0x50: {  	s0 =	rddreg [dreg:$0x0];
	s2 =	stileid.u32  }
0x51: {  	s1 =	rddreg [dreg:$0x1];
	p0 =	sne.s32 s2, $0x0  }
0x52: {  	s3 =	rddreg [dreg:$0x2];
	[bflag:$0x3] =	sbarrier.arrive $0xFFFF;
	s2 =	simm.s32 @!p0 $0x1C01  }
0x53: {  	[timem:s3], [sflag:s2] =	dma.local @!p0 [hbm:s0], s1  }
0x54: {  	s0 =	simm.s32 @!p0 $0x1  }
0x55: {  	_ =	swait.ge @!p0 [sflag:s0], s1  }
0x56: {  	s1 =	ssub.s32 @!p0 $0x0, s1;
	[sflag:s0] =	ssyncset.done @!p0 $0x0  }
0x57: {  	[sflag:s0] =	ssyncadd.s32 @!p0 s1  }
0x58: {  	[bflag:$0x3] =	sbarrier.arrive $0xFFFF  }
0x59: {  	_ =	shalt  }

</sc_bundles>
